<compile_context>
chip_gen: v7x
topology: tpu7x:2x2x1
jax: 0.10.2.dev20260603
libtpu: 0.0.44.dev20260713+nightly
codegen_flags: <defaults>
</compile_context>

<pallas_src>
import functools

import jax
import jax.numpy as jnp
import numpy as np
from jax import lax
from jax.experimental import pallas as pl
from jax.experimental.pallas import tpu as pltpu
from jax.experimental.pallas import tpu_sc as plsc

_H, _W = 32, 32
_B, _D = 64, 768
_T = _H * _W
_ROWS = _B * _T

_NC, _NS = 2, 16
_NW = _NC * _NS
_ROWS_W = _ROWS // _NW
_K = _W
_NGRP = _ROWS_W // _K
_NODD = _NGRP // 2
_NB = 2
_NBE = 2
_G = _NODD // _NB


def _zigzag_order(h, w):
    order = []
    for i in range(h):
        cols = range(w) if i % 2 == 0 else range(w - 1, -1, -1)
        order.extend(i * w + j for j in cols)
    return np.array(order, dtype=np.int32)


_SRC_ODD = np.ascontiguousarray(
    ((np.arange(_B, dtype=np.int32)[:, None] * _T
      + _zigzag_order(_H, _W)[None, :])
     .reshape(_NW, _NGRP, _K))[:, 1::2, :])

_MESH = plsc.VectorSubcoreMesh(
    core_axis_name="c", subcore_axis_name="s",
    num_cores=_NC, num_subcores=_NS,
)


@functools.partial(
    pl.kernel,
    out_type=jax.ShapeDtypeStruct((_ROWS, _D), jnp.float32),
    mesh=_MESH,
    scratch_types=[
        pltpu.VMEM((_NODD, _K), jnp.int32),
        pltpu.VMEM_SHARED((_NS, _NBE, _K, _D), jnp.float32),
    ] + [pltpu.VMEM((_K, _D), jnp.float32) for _ in range(_NB)]
      + [pltpu.SemaphoreType.DMA for _ in range(2 * _NB + 2 * _NBE + 1)],
)
def _zigzag_sc(x_hbm, idx_hbm, out_hbm, idx_v, spm, *rest):
    bufs = rest[:_NB]
    sems_in = rest[_NB:2 * _NB]
    sems_out = rest[2 * _NB:3 * _NB]
    esems_in = rest[3 * _NB:3 * _NB + _NBE]
    esems_out = rest[3 * _NB + _NBE:3 * _NB + 2 * _NBE]
    sem_idx = rest[3 * _NB + 2 * _NBE]

    cid = lax.axis_index("c")
    sid = lax.axis_index("s")
    wid = sid * _NC + cid
    base = wid * _ROWS_W

    idx_cp = pltpu.make_async_copy(idx_hbm.at[wid], idx_v, sem_idx)
    idx_cp.start()

    def start_in(j, b):
        pltpu.make_async_copy(x_hbm.at[idx_v.at[j]], bufs[b], sems_in[b]).start()

    def wait_in(b):
        pltpu.make_async_copy(x_hbm.at[idx_v.at[0]], bufs[b], sems_in[b]).wait()

    def start_out(j, b):
        off = base + (2 * j + 1) * _K
        pltpu.make_async_copy(
            bufs[b], out_hbm.at[pl.ds(off, _K)], sems_out[b]).start()

    def wait_out(b):
        pltpu.make_async_copy(
            bufs[b], out_hbm.at[pl.ds(base, _K)], sems_out[b]).wait()

    def estart_in(j, b):
        off = base + 2 * j * _K
        pltpu.make_async_copy(
            x_hbm.at[pl.ds(off, _K)], spm.at[sid, b], esems_in[b]).start()

    def ewait_in(b):
        pltpu.make_async_copy(
            x_hbm.at[pl.ds(base, _K)], spm.at[sid, b], esems_in[b]).wait()

    def estart_out(j, b):
        off = base + 2 * j * _K
        pltpu.make_async_copy(
            spm.at[sid, b], out_hbm.at[pl.ds(off, _K)], esems_out[b]).start()

    def ewait_out(b):
        pltpu.make_async_copy(
            spm.at[sid, b], out_hbm.at[pl.ds(base, _K)], esems_out[b]).wait()

    estart_in(0, 0)
    idx_cp.wait()
    for b in range(_NB - 1):
        start_in(b, b)

    def outer(g, carry):
        for b in range(_NB):
            j = g * _NB + b
            bj = (b + _NB - 1) % _NB
            eb = b % _NBE
            ebj = (b + 1) % _NBE

            ewait_in(eb)
            estart_out(j, eb)
            if b == 0:
                @pl.when(g > 0)
                def _():
                    ewait_out(ebj)

                estart_in(j + 1, ebj)
            elif b < _NB - 1:
                ewait_out(ebj)
                estart_in(j + 1, ebj)
            else:
                @pl.when(g < _G - 1)
                def _():
                    ewait_out(ebj)
                    estart_in(j + 1, ebj)

            wait_in(b)
            start_out(j, b)
            if b == 0:
                @pl.when(g > 0)
                def _():
                    wait_out(bj)

                start_in(j + _NB - 1, bj)
            else:
                @pl.when(g < _G - 1)
                def _():
                    wait_out(bj)
                    start_in(j + _NB - 1, bj)
        return carry

    lax.fori_loop(0, _G, outer, 0)
    for b in range(_NB):
        wait_out(b)
    for b in range(_NBE):
        ewait_out(b)


def kernel(x):
    x2 = x.reshape(_ROWS, _D)
    idx = jnp.asarray(_SRC_ODD)
    out = _zigzag_sc(x2, idx)
    return out.reshape(_B, _T, _D)

# --- scband reference (transcript-rebuilt; emitter-appended) ---
"""Pipeline reference for scband-zigzag-reorder-50113678410531 (READ-ONLY COPY).

The authoritative reference and input builder live on the scoring server;
editing this copy changes nothing except your own understanding.
"""

import jax, jax.numpy as jnp
import numpy as np

H, W = 32, 32

def _zigzag_order(h, w):
    order = []
    for i in range(h):
        if i % 2 == 0:
            for j in range(w):
                order.append(i * w + j)
        else:
            for j in range(w - 1, -1, -1):
                order.append(i * w + j)
    return np.array(order, dtype=np.int64)

ORDER = jnp.asarray(_zigzag_order(H, W))

def setup_inputs(seed: int = 0) -> dict:
    key = jax.random.key(seed)
    x = jax.random.normal(key, (64, H * W, 768), dtype=jnp.float32)
    return {"x": x}

def reference(x):
    # Faithful translation of ZigzagReorder.forward: gather along token dim
    return jnp.take(x, ORDER, axis=1)

if __name__ == "__main__":
    import jax
    _d = setup_inputs()
    print(jax.jit(kernel)(*tuple(_d.values())))

</pallas_src>

<mosaic_0001>
#map = affine_map<(d0, d1) -> (0, 0)>
#map1 = affine_map<(d0, d1) -> (0, 0, 0)>
module attributes {stable_mosaic.version = 14 : i64} {
  func.func @_zigzag_sc(%arg0: i32, %arg1: i32, %arg2: memref<65536x768xf32, #tpu.memory_space<hbm>>, %arg3: memref<32x32x32xi32, #tpu.memory_space<hbm>>, %arg4: memref<65536x768xf32, #tpu.memory_space<hbm>>, %arg5: memref<32x32xi32, #tpu.memory_space<vmem>>, %arg6: memref<16x2x32x768xf32, #tpu.memory_space<vmem_shared>>, %arg7: memref<32x768xf32, #tpu.memory_space<vmem>>, %arg8: memref<32x768xf32, #tpu.memory_space<vmem>>, %arg9: memref<!tpu.dma_semaphore, #tpu.memory_space<semaphore_mem>>, %arg10: memref<!tpu.dma_semaphore, #tpu.memory_space<semaphore_mem>>, %arg11: memref<!tpu.dma_semaphore, #tpu.memory_space<semaphore_mem>>, %arg12: memref<!tpu.dma_semaphore, #tpu.memory_space<semaphore_mem>>, %arg13: memref<!tpu.dma_semaphore, #tpu.memory_space<semaphore_mem>>, %arg14: memref<!tpu.dma_semaphore, #tpu.memory_space<semaphore_mem>>, %arg15: memref<!tpu.dma_semaphore, #tpu.memory_space<semaphore_mem>>, %arg16: memref<!tpu.dma_semaphore, #tpu.memory_space<semaphore_mem>>, %arg17: memref<!tpu.dma_semaphore, #tpu.memory_space<semaphore_mem>>) attributes {dimension_semantics = [#tpu.dimension_semantics<core_parallel>, #tpu.dimension_semantics<subcore_parallel>], iteration_bounds = array<i64: 2, 16>, scalar_prefetch = 0 : i64, scratch_operands = 13 : i64, tpu.core_type = #tpu.core_type<sc_vector_subcore>, window_params = [{transform_indices = #map}, {transform_indices = #map1}, {transform_indices = #map}]} {
    %mul3A = arith.constant 2 : i32
    %mul3A_0 = arith.muli %arg1, %mul3A : i32
    %add3A = arith.addi %mul3A_0, %arg0 : i32
    %mul3A_1 = arith.constant 2048 : i32
    %mul3A_2 = arith.muli %add3A, %mul3A_1 : i32
    %dma_start3A = arith.constant 0 : i32
    %dma_start3A_3 = arith.constant 0 : i32
    %dma_start3A_4 = tpu.memref_slice %arg3[%add3A, %dma_start3A, %dma_start3A_3] : memref<32x32x32xi32, #tpu.memory_space<hbm>> -> memref<1x32x32xi32, #tpu.memory_space<hbm>>
    %dma_start3A_5 = tpu.memref_squeeze %dma_start3A_4 : memref<1x32x32xi32, #tpu.memory_space<hbm>> -> memref<32x32xi32, #tpu.memory_space<hbm>>
    %dma_start3A_6 = arith.constant 0 : i32
    %dma_start3A_7 = arith.constant 0 : i32
    %dma_start3A_8 = tpu.memref_slice %arg3[%add3A, %dma_start3A_6, %dma_start3A_7] : memref<32x32x32xi32, #tpu.memory_space<hbm>> -> memref<1x32x32xi32, #tpu.memory_space<hbm>>
    %dma_start3A_9 = tpu.memref_squeeze %dma_start3A_8 : memref<1x32x32xi32, #tpu.memory_space<hbm>> -> memref<32x32xi32, #tpu.memory_space<hbm>>
    tpu.enqueue_dma source(%dma_start3A_9 : memref<32x32xi32, #tpu.memory_space<hbm>>) target(%arg5 : memref<32x32xi32, #tpu.memory_space<vmem>>) target_semaphore(%arg17 : memref<!tpu.dma_semaphore, #tpu.memory_space<semaphore_mem>>)
    %add3A_10 = arith.constant 0 : i32
    %add3A_11 = arith.addi %mul3A_2, %add3A_10 : i32
    %dma_start3A_12 = arith.constant 0 : i32
    %dma_start3A_13 = arith.constant 0 : i32
    %dma_start3A_14 = arith.constant 0 : i32
    %dma_start3A_15 = tpu.memref_slice %arg6[%arg1, %dma_start3A_12, %dma_start3A_13, %dma_start3A_14] : memref<16x2x32x768xf32, #tpu.memory_space<vmem_shared>> -> memref<1x1x32x768xf32, #tpu.memory_space<vmem_shared>>
    %dma_start3A_16 = tpu.memref_squeeze %dma_start3A_15 : memref<1x1x32x768xf32, #tpu.memory_space<vmem_shared>> -> memref<32x768xf32, #tpu.memory_space<vmem_shared>>
    %dma_start3A_17 = arith.constant 0 : i32
    %dma_start3A_18 = tpu.memref_slice %arg2[%add3A_11, %dma_start3A_17] : memref<65536x768xf32, #tpu.memory_space<hbm>> -> memref<32x768xf32, #tpu.memory_space<hbm>>
    tpu.enqueue_dma source(%dma_start3A_18 : memref<32x768xf32, #tpu.memory_space<hbm>>) target(%dma_start3A_16 : memref<32x768xf32, #tpu.memory_space<vmem_shared>>) target_semaphore(%arg13 : memref<!tpu.dma_semaphore, #tpu.memory_space<semaphore_mem>>)
    %dma_wait3A = arith.constant 0 : i32
    %dma_wait3A_19 = arith.constant 0 : i32
    %dma_wait3A_20 = tpu.memref_slice %arg3[%add3A, %dma_wait3A, %dma_wait3A_19] : memref<32x32x32xi32, #tpu.memory_space<hbm>> -> memref<1x32x32xi32, #tpu.memory_space<hbm>>
    %dma_wait3A_21 = tpu.memref_squeeze %dma_wait3A_20 : memref<1x32x32xi32, #tpu.memory_space<hbm>> -> memref<32x32xi32, #tpu.memory_space<hbm>>
    %dma_wait3A_22 = arith.constant 0 : i32
    %dma_wait3A_23 = arith.constant 0 : i32
    %dma_wait3A_24 = tpu.memref_slice %arg3[%add3A, %dma_wait3A_22, %dma_wait3A_23] : memref<32x32x32xi32, #tpu.memory_space<hbm>> -> memref<1x32x32xi32, #tpu.memory_space<hbm>>
    %dma_wait3A_25 = tpu.memref_squeeze %dma_wait3A_24 : memref<1x32x32xi32, #tpu.memory_space<hbm>> -> memref<32x32xi32, #tpu.memory_space<hbm>>
    tpu.wait_dma2 semaphore(%arg17 : memref<!tpu.dma_semaphore, #tpu.memory_space<semaphore_mem>>) src(%dma_wait3A_25 : memref<32x32xi32, #tpu.memory_space<hbm>>) dst(%arg5 : memref<32x32xi32, #tpu.memory_space<vmem>>)
    %dma_start3A_26 = arith.constant 0 : i32
    %dma_start3A_27 = arith.constant 0 : i32
    %dma_start3A_28 = tpu.memref_slice %arg5[%dma_start3A_26, %dma_start3A_27] : memref<32x32xi32, #tpu.memory_space<vmem>> -> memref<1x32xi32, #tpu.memory_space<vmem>>
    %dma_start3A_29 = tpu.memref_squeeze %dma_start3A_28 : memref<1x32xi32, #tpu.memory_space<vmem>> -> memref<32xi32, #tpu.memory_space<vmem>>
    %dma_start3A_30 = arith.constant 0 : i32
    %dma_start3A_31 = arith.constant 0 : i32
    %dma_start3A_32 = tpu.memref_slice %arg2[%dma_start3A_30, %dma_start3A_31] : memref<65536x768xf32, #tpu.memory_space<hbm>> -> memref<65536x768xf32, #tpu.memory_space<hbm>>
    tpu.enqueue_indirect_dma source(%dma_start3A_32 : memref<65536x768xf32, #tpu.memory_space<hbm>>) target(%arg7 : memref<32x768xf32, #tpu.memory_space<vmem>>) offsets(%dma_start3A_29 : memref<32xi32, #tpu.memory_space<vmem>>) semaphore(%arg9 : memref<!tpu.dma_semaphore, #tpu.memory_space<semaphore_mem>>)
    %scan3A = arith.constant 0 : i32
    %scan3A_33 = arith.constant 0 : i32
    %scan3A_34 = arith.constant 16 : i32
    %scan3A_35 = arith.addi %scan3A_33, %scan3A_34 : i32
    %scan3A_36 = arith.constant 1 : i32
    scf.for %scan3A_60 = %scan3A_33 to %scan3A_35 step %scan3A_36  : i32 {
      %mul3A_61 = arith.constant 2 : i32
      %mul3A_62 = arith.muli %scan3A_60, %mul3A_61 : i32
      %add3A_63 = arith.constant 0 : i32
      %add3A_64 = arith.addi %mul3A_62, %add3A_63 : i32
      %dma_wait3A_65 = arith.constant 0 : i32
      %dma_wait3A_66 = arith.constant 0 : i32
      %dma_wait3A_67 = arith.constant 0 : i32
      %dma_wait3A_68 = tpu.memref_slice %arg6[%arg1, %dma_wait3A_65, %dma_wait3A_66, %dma_wait3A_67] : memref<16x2x32x768xf32, #tpu.memory_space<vmem_shared>> -> memref<1x1x32x768xf32, #tpu.memory_space<vmem_shared>>
      %dma_wait3A_69 = tpu.memref_squeeze %dma_wait3A_68 : memref<1x1x32x768xf32, #tpu.memory_space<vmem_shared>> -> memref<32x768xf32, #tpu.memory_space<vmem_shared>>
      %dma_wait3A_70 = arith.constant 0 : i32
      %dma_wait3A_71 = tpu.memref_slice %arg2[%mul3A_2, %dma_wait3A_70] : memref<65536x768xf32, #tpu.memory_space<hbm>> -> memref<32x768xf32, #tpu.memory_space<hbm>>
      tpu.wait_dma2 semaphore(%arg13 : memref<!tpu.dma_semaphore, #tpu.memory_space<semaphore_mem>>) src(%dma_wait3A_71 : memref<32x768xf32, #tpu.memory_space<hbm>>) dst(%dma_wait3A_69 : memref<32x768xf32, #tpu.memory_space<vmem_shared>>)
      %mul3A_72 = arith.constant 2 : i32
      %mul3A_73 = arith.muli %mul3A_72, %add3A_64 : i32
      %mul3A_74 = arith.constant 32 : i32
      %mul3A_75 = arith.muli %mul3A_73, %mul3A_74 : i32
      %add3A_76 = arith.addi %mul3A_2, %mul3A_75 : i32
      %dma_start3A_77 = arith.constant 0 : i32
      %dma_start3A_78 = arith.constant 0 : i32
      %dma_start3A_79 = tpu.memref_slice %arg4[%add3A_76, %dma_start3A_78] : memref<65536x768xf32, #tpu.memory_space<hbm>> -> memref<32x768xf32, #tpu.memory_space<hbm>>
      %dma_start3A_80 = arith.constant 0 : i32
      %dma_start3A_81 = arith.constant 0 : i32
      %dma_start3A_82 = tpu.memref_slice %arg6[%arg1, %dma_start3A_77, %dma_start3A_80, %dma_start3A_81] : memref<16x2x32x768xf32, #tpu.memory_space<vmem_shared>> -> memref<1x1x32x768xf32, #tpu.memory_space<vmem_shared>>
      %dma_start3A_83 = tpu.memref_squeeze %dma_start3A_82 : memref<1x1x32x768xf32, #tpu.memory_space<vmem_shared>> -> memref<32x768xf32, #tpu.memory_space<vmem_shared>>
      tpu.enqueue_dma source(%dma_start3A_83 : memref<32x768xf32, #tpu.memory_space<vmem_shared>>) target(%dma_start3A_79 : memref<32x768xf32, #tpu.memory_space<hbm>>) target_semaphore(%arg15 : memref<!tpu.dma_semaphore, #tpu.memory_space<semaphore_mem>>)
      %gt3A = arith.constant 0 : i32
      %gt3A_84 = arith.cmpi sgt, %scan3A_60, %gt3A : i32
      %convert_element_type3A = arith.extui %gt3A_84 : i1 to i32
      %cond3A = arith.constant 0 : i32
      %cond3A_85 = arith.cmpi ne, %convert_element_type3A, %cond3A : i32
      scf.if %cond3A_85 {
        %dma_wait3A_182 = arith.constant 1 : i32
        %dma_wait3A_183 = arith.constant 0 : i32
        %dma_wait3A_184 = tpu.memref_slice %arg4[%mul3A_2, %dma_wait3A_183] : memref<65536x768xf32, #tpu.memory_space<hbm>> -> memref<32x768xf32, #tpu.memory_space<hbm>>
        %dma_wait3A_185 = arith.constant 0 : i32
        %dma_wait3A_186 = arith.constant 0 : i32
        %dma_wait3A_187 = tpu.memref_slice %arg6[%arg1, %dma_wait3A_182, %dma_wait3A_185, %dma_wait3A_186] : memref<16x2x32x768xf32, #tpu.memory_space<vmem_shared>> -> memref<1x1x32x768xf32, #tpu.memory_space<vmem_shared>>
        %dma_wait3A_188 = tpu.memref_squeeze %dma_wait3A_187 : memref<1x1x32x768xf32, #tpu.memory_space<vmem_shared>> -> memref<32x768xf32, #tpu.memory_space<vmem_shared>>
        tpu.wait_dma2 semaphore(%arg16 : memref<!tpu.dma_semaphore, #tpu.memory_space<semaphore_mem>>) src(%dma_wait3A_188 : memref<32x768xf32, #tpu.memory_space<vmem_shared>>) dst(%dma_wait3A_184 : memref<32x768xf32, #tpu.memory_space<hbm>>)
      } else {
      }
      %add3A_86 = arith.constant 1 : i32
      %add3A_87 = arith.addi %add3A_64, %add3A_86 : i32
      %mul3A_88 = arith.constant 2 : i32
      %mul3A_89 = arith.muli %mul3A_88, %add3A_87 : i32
      %mul3A_90 = arith.constant 32 : i32
      %mul3A_91 = arith.muli %mul3A_89, %mul3A_90 : i32
      %add3A_92 = arith.addi %mul3A_2, %mul3A_91 : i32
      %dma_start3A_93 = arith.constant 1 : i32
      %dma_start3A_94 = arith.constant 0 : i32
      %dma_start3A_95 = arith.constant 0 : i32
      %dma_start3A_96 = tpu.memref_slice %arg6[%arg1, %dma_start3A_93, %dma_start3A_94, %dma_start3A_95] : memref<16x2x32x768xf32, #tpu.memory_space<vmem_shared>> -> memref<1x1x32x768xf32, #tpu.memory_space<vmem_shared>>
      %dma_start3A_97 = tpu.memref_squeeze %dma_start3A_96 : memref<1x1x32x768xf32, #tpu.memory_space<vmem_shared>> -> memref<32x768xf32, #tpu.memory_space<vmem_shared>>
      %dma_start3A_98 = arith.constant 0 : i32
      %dma_start3A_99 = tpu.memref_slice %arg2[%add3A_92, %dma_start3A_98] : memref<65536x768xf32, #tpu.memory_space<hbm>> -> memref<32x768xf32, #tpu.memory_space<hbm>>
      tpu.enqueue_dma source(%dma_start3A_99 : memref<32x768xf32, #tpu.memory_space<hbm>>) target(%dma_start3A_97 : memref<32x768xf32, #tpu.memory_space<vmem_shared>>) target_semaphore(%arg14 : memref<!tpu.dma_semaphore, #tpu.memory_space<semaphore_mem>>)
      %dma_wait3A_100 = arith.constant 0 : i32
      %dma_wait3A_101 = arith.constant 0 : i32
      %dma_wait3A_102 = tpu.memref_slice %arg5[%dma_wait3A_100, %dma_wait3A_101] : memref<32x32xi32, #tpu.memory_space<vmem>> -> memref<1x32xi32, #tpu.memory_space<vmem>>
      %dma_wait3A_103 = tpu.memref_squeeze %dma_wait3A_102 : memref<1x32xi32, #tpu.memory_space<vmem>> -> memref<32xi32, #tpu.memory_space<vmem>>
      %dma_wait3A_104 = arith.constant 0 : i32
      %dma_wait3A_105 = arith.constant 0 : i32
      %dma_wait3A_106 = tpu.memref_slice %arg2[%dma_wait3A_104, %dma_wait3A_105] : memref<65536x768xf32, #tpu.memory_space<hbm>> -> memref<65536x768xf32, #tpu.memory_space<hbm>>
      tpu.wait_indirect_dma semaphore(%arg9 : memref<!tpu.dma_semaphore, #tpu.memory_space<semaphore_mem>>) src(%dma_wait3A_106 : memref<65536x768xf32, #tpu.memory_space<hbm>>) dst(%arg7 : memref<32x768xf32, #tpu.memory_space<vmem>>)
      %mul3A_107 = arith.constant 2 : i32
      %mul3A_108 = arith.muli %mul3A_107, %add3A_64 : i32
      %add3A_109 = arith.constant 1 : i32
      %add3A_110 = arith.addi %mul3A_108, %add3A_109 : i32
      %mul3A_111 = arith.constant 32 : i32
      %mul3A_112 = arith.muli %add3A_110, %mul3A_111 : i32
      %add3A_113 = arith.addi %mul3A_2, %mul3A_112 : i32
      %dma_start3A_114 = arith.constant 0 : i32
      %dma_start3A_115 = tpu.memref_slice %arg4[%add3A_113, %dma_start3A_114] : memref<65536x768xf32, #tpu.memory_space<hbm>> -> memref<32x768xf32, #tpu.memory_space<hbm>>
      %dma_start3A_116 = arith.constant 0 : i32
      %dma_start3A_117 = tpu.memref_slice %arg4[%add3A_113, %dma_start3A_116] : memref<65536x768xf32, #tpu.memory_space<hbm>> -> memref<32x768xf32, #tpu.memory_space<hbm>>
      tpu.enqueue_dma source(%arg7 : memref<32x768xf32, #tpu.memory_space<vmem>>) target(%dma_start3A_117 : memref<32x768xf32, #tpu.memory_space<hbm>>) target_semaphore(%arg11 : memref<!tpu.dma_semaphore, #tpu.memory_space<semaphore_mem>>)
      %gt3A_118 = arith.constant 0 : i32
      %gt3A_119 = arith.cmpi sgt, %scan3A_60, %gt3A_118 : i32
      %convert_element_type3A_120 = arith.extui %gt3A_119 : i1 to i32
      %cond3A_121 = arith.constant 0 : i32
      %cond3A_122 = arith.cmpi ne, %convert_element_type3A_120, %cond3A_121 : i32
      scf.if %cond3A_122 {
        %dma_wait3A_182 = arith.constant 0 : i32
        %dma_wait3A_183 = tpu.memref_slice %arg4[%mul3A_2, %dma_wait3A_182] : memref<65536x768xf32, #tpu.memory_space<hbm>> -> memref<32x768xf32, #tpu.memory_space<hbm>>
        %dma_wait3A_184 = arith.constant 0 : i32
        %dma_wait3A_185 = tpu.memref_slice %arg4[%mul3A_2, %dma_wait3A_184] : memref<65536x768xf32, #tpu.memory_space<hbm>> -> memref<32x768xf32, #tpu.memory_space<hbm>>
        tpu.wait_dma2 semaphore(%arg12 : memref<!tpu.dma_semaphore, #tpu.memory_space<semaphore_mem>>) src(%arg8 : memref<32x768xf32, #tpu.memory_space<vmem>>) dst(%dma_wait3A_185 : memref<32x768xf32, #tpu.memory_space<hbm>>)
      } else {
      }
      %add3A_123 = arith.constant 2 : i32
      %add3A_124 = arith.addi %add3A_64, %add3A_123 : i32
      %sub3A = arith.constant 1 : i32
      %sub3A_125 = arith.subi %add3A_124, %sub3A : i32
      %dma_start3A_126 = arith.constant 0 : i32
      %dma_start3A_127 = tpu.memref_slice %arg5[%sub3A_125, %dma_start3A_126] : memref<32x32xi32, #tpu.memory_space<vmem>> -> memref<1x32xi32, #tpu.memory_space<vmem>>
      %dma_start3A_128 = tpu.memref_squeeze %dma_start3A_127 : memref<1x32xi32, #tpu.memory_space<vmem>> -> memref<32xi32, #tpu.memory_space<vmem>>
      %dma_start3A_129 = arith.constant 0 : i32
      %dma_start3A_130 = arith.constant 0 : i32
      %dma_start3A_131 = tpu.memref_slice %arg2[%dma_start3A_129, %dma_start3A_130] : memref<65536x768xf32, #tpu.memory_space<hbm>> -> memref<65536x768xf32, #tpu.memory_space<hbm>>
      tpu.enqueue_indirect_dma source(%dma_start3A_131 : memref<65536x768xf32, #tpu.memory_space<hbm>>) target(%arg8 : memref<32x768xf32, #tpu.memory_space<vmem>>) offsets(%dma_start3A_128 : memref<32xi32, #tpu.memory_space<vmem>>) semaphore(%arg10 : memref<!tpu.dma_semaphore, #tpu.memory_space<semaphore_mem>>)
      %mul3A_132 = arith.constant 2 : i32
      %mul3A_133 = arith.muli %scan3A_60, %mul3A_132 : i32
      %add3A_134 = arith.constant 1 : i32
      %add3A_135 = arith.addi %mul3A_133, %add3A_134 : i32
      %dma_wait3A_136 = arith.constant 1 : i32
      %dma_wait3A_137 = arith.constant 0 : i32
      %dma_wait3A_138 = arith.constant 0 : i32
      %dma_wait3A_139 = tpu.memref_slice %arg6[%arg1, %dma_wait3A_136, %dma_wait3A_137, %dma_wait3A_138] : memref<16x2x32x768xf32, #tpu.memory_space<vmem_shared>> -> memref<1x1x32x768xf32, #tpu.memory_space<vmem_shared>>
      %dma_wait3A_140 = tpu.memref_squeeze %dma_wait3A_139 : memref<1x1x32x768xf32, #tpu.memory_space<vmem_shared>> -> memref<32x768xf32, #tpu.memory_space<vmem_shared>>
      %dma_wait3A_141 = arith.constant 0 : i32
      %dma_wait3A_142 = tpu.memref_slice %arg2[%mul3A_2, %dma_wait3A_141] : memref<65536x768xf32, #tpu.memory_space<hbm>> -> memref<32x768xf32, #tpu.memory_space<hbm>>
      tpu.wait_dma2 semaphore(%arg14 : memref<!tpu.dma_semaphore, #tpu.memory_space<semaphore_mem>>) src(%dma_wait3A_142 : memref<32x768xf32, #tpu.memory_space<hbm>>) dst(%dma_wait3A_140 : memref<32x768xf32, #tpu.memory_space<vmem_shared>>)
      %mul3A_143 = arith.constant 2 : i32
      %mul3A_144 = arith.muli %mul3A_143, %add3A_135 : i32
      %mul3A_145 = arith.constant 32 : i32
      %mul3A_146 = arith.muli %mul3A_144, %mul3A_145 : i32
      %add3A_147 = arith.addi %mul3A_2, %mul3A_146 : i32
      %dma_start3A_148 = arith.constant 1 : i32
      %dma_start3A_149 = arith.constant 0 : i32
      %dma_start3A_150 = tpu.memref_slice %arg4[%add3A_147, %dma_start3A_149] : memref<65536x768xf32, #tpu.memory_space<hbm>> -> memref<32x768xf32, #tpu.memory_space<hbm>>
      %dma_start3A_151 = arith.constant 0 : i32
      %dma_start3A_152 = arith.constant 0 : i32
      %dma_start3A_153 = tpu.memref_slice %arg6[%arg1, %dma_start3A_148, %dma_start3A_151, %dma_start3A_152] : memref<16x2x32x768xf32, #tpu.memory_space<vmem_shared>> -> memref<1x1x32x768xf32, #tpu.memory_space<vmem_shared>>
      %dma_start3A_154 = tpu.memref_squeeze %dma_start3A_153 : memref<1x1x32x768xf32, #tpu.memory_space<vmem_shared>> -> memref<32x768xf32, #tpu.memory_space<vmem_shared>>
      tpu.enqueue_dma source(%dma_start3A_154 : memref<32x768xf32, #tpu.memory_space<vmem_shared>>) target(%dma_start3A_150 : memref<32x768xf32, #tpu.memory_space<hbm>>) target_semaphore(%arg16 : memref<!tpu.dma_semaphore, #tpu.memory_space<semaphore_mem>>)
      %lt3A = arith.constant 15 : i32
      %lt3A_155 = arith.cmpi slt, %scan3A_60, %lt3A : i32
      %convert_element_type3A_156 = arith.extui %lt3A_155 : i1 to i32
      %cond3A_157 = arith.constant 0 : i32
      %cond3A_158 = arith.cmpi ne, %convert_element_type3A_156, %cond3A_157 : i32
      scf.if %cond3A_158 {
        %dma_wait3A_182 = arith.constant 0 : i32
        %dma_wait3A_183 = arith.constant 0 : i32
        %dma_wait3A_184 = tpu.memref_slice %arg4[%mul3A_2, %dma_wait3A_183] : memref<65536x768xf32, #tpu.memory_space<hbm>> -> memref<32x768xf32, #tpu.memory_space<hbm>>
        %dma_wait3A_185 = arith.constant 0 : i32
        %dma_wait3A_186 = arith.constant 0 : i32
        %dma_wait3A_187 = tpu.memref_slice %arg6[%arg1, %dma_wait3A_182, %dma_wait3A_185, %dma_wait3A_186] : memref<16x2x32x768xf32, #tpu.memory_space<vmem_shared>> -> memref<1x1x32x768xf32, #tpu.memory_space<vmem_shared>>
        %dma_wait3A_188 = tpu.memref_squeeze %dma_wait3A_187 : memref<1x1x32x768xf32, #tpu.memory_space<vmem_shared>> -> memref<32x768xf32, #tpu.memory_space<vmem_shared>>
        tpu.wait_dma2 semaphore(%arg15 : memref<!tpu.dma_semaphore, #tpu.memory_space<semaphore_mem>>) src(%dma_wait3A_188 : memref<32x768xf32, #tpu.memory_space<vmem_shared>>) dst(%dma_wait3A_184 : memref<32x768xf32, #tpu.memory_space<hbm>>)
        %add3A_189 = arith.constant 1 : i32
        %add3A_190 = arith.addi %add3A_135, %add3A_189 : i32
        %mul3A_191 = arith.constant 2 : i32
        %mul3A_192 = arith.muli %mul3A_191, %add3A_190 : i32
        %mul3A_193 = arith.constant 32 : i32
        %mul3A_194 = arith.muli %mul3A_192, %mul3A_193 : i32
        %add3A_195 = arith.addi %mul3A_2, %mul3A_194 : i32
        %dma_start3A_196 = arith.constant 0 : i32
        %dma_start3A_197 = arith.constant 0 : i32
        %dma_start3A_198 = arith.constant 0 : i32
        %dma_start3A_199 = tpu.memref_slice %arg6[%arg1, %dma_start3A_196, %dma_start3A_197, %dma_start3A_198] : memref<16x2x32x768xf32, #tpu.memory_space<vmem_shared>> -> memref<1x1x32x768xf32, #tpu.memory_space<vmem_shared>>
        %dma_start3A_200 = tpu.memref_squeeze %dma_start3A_199 : memref<1x1x32x768xf32, #tpu.memory_space<vmem_shared>> -> memref<32x768xf32, #tpu.memory_space<vmem_shared>>
        %dma_start3A_201 = arith.constant 0 : i32
        %dma_start3A_202 = tpu.memref_slice %arg2[%add3A_195, %dma_start3A_201] : memref<65536x768xf32, #tpu.memory_space<hbm>> -> memref<32x768xf32, #tpu.memory_space<hbm>>
        tpu.enqueue_dma source(%dma_start3A_202 : memref<32x768xf32, #tpu.memory_space<hbm>>) target(%dma_start3A_200 : memref<32x768xf32, #tpu.memory_space<vmem_shared>>) target_semaphore(%arg13 : memref<!tpu.dma_semaphore, #tpu.memory_space<semaphore_mem>>)
      } else {
      }
      %dma_wait3A_159 = arith.constant 0 : i32
      %dma_wait3A_160 = arith.constant 0 : i32
      %dma_wait3A_161 = tpu.memref_slice %arg5[%dma_wait3A_159, %dma_wait3A_160] : memref<32x32xi32, #tpu.memory_space<vmem>> -> memref<1x32xi32, #tpu.memory_space<vmem>>
      %dma_wait3A_162 = tpu.memref_squeeze %dma_wait3A_161 : memref<1x32xi32, #tpu.memory_space<vmem>> -> memref<32xi32, #tpu.memory_space<vmem>>
      %dma_wait3A_163 = arith.constant 0 : i32
      %dma_wait3A_164 = arith.constant 0 : i32
      %dma_wait3A_165 = tpu.memref_slice %arg2[%dma_wait3A_163, %dma_wait3A_164] : memref<65536x768xf32, #tpu.memory_space<hbm>> -> memref<65536x768xf32, #tpu.memory_space<hbm>>
      tpu.wait_indirect_dma semaphore(%arg10 : memref<!tpu.dma_semaphore, #tpu.memory_space<semaphore_mem>>) src(%dma_wait3A_165 : memref<65536x768xf32, #tpu.memory_space<hbm>>) dst(%arg8 : memref<32x768xf32, #tpu.memory_space<vmem>>)
      %mul3A_166 = arith.constant 2 : i32
      %mul3A_167 = arith.muli %mul3A_166, %add3A_135 : i32
      %add3A_168 = arith.constant 1 : i32
      %add3A_169 = arith.addi %mul3A_167, %add3A_168 : i32
      %mul3A_170 = arith.constant 32 : i32
      %mul3A_171 = arith.muli %add3A_169, %mul3A_170 : i32
      %add3A_172 = arith.addi %mul3A_2, %mul3A_171 : i32
      %dma_start3A_173 = arith.constant 0 : i32
      %dma_start3A_174 = tpu.memref_slice %arg4[%add3A_172, %dma_start3A_173] : memref<65536x768xf32, #tpu.memory_space<hbm>> -> memref<32x768xf32, #tpu.memory_space<hbm>>
      %dma_start3A_175 = arith.constant 0 : i32
      %dma_start3A_176 = tpu.memref_slice %arg4[%add3A_172, %dma_start3A_175] : memref<65536x768xf32, #tpu.memory_space<hbm>> -> memref<32x768xf32, #tpu.memory_space<hbm>>
      tpu.enqueue_dma source(%arg8 : memref<32x768xf32, #tpu.memory_space<vmem>>) target(%dma_start3A_176 : memref<32x768xf32, #tpu.memory_space<hbm>>) target_semaphore(%arg12 : memref<!tpu.dma_semaphore, #tpu.memory_space<semaphore_mem>>)
      %lt3A_177 = arith.constant 15 : i32
      %lt3A_178 = arith.cmpi slt, %scan3A_60, %lt3A_177 : i32
      %convert_element_type3A_179 = arith.extui %lt3A_178 : i1 to i32
      %cond3A_180 = arith.constant 0 : i32
      %cond3A_181 = arith.cmpi ne, %convert_element_type3A_179, %cond3A_180 : i32
      scf.if %cond3A_181 {
        %dma_wait3A_182 = arith.constant 0 : i32
        %dma_wait3A_183 = tpu.memref_slice %arg4[%mul3A_2, %dma_wait3A_182] : memref<65536x768xf32, #tpu.memory_space<hbm>> -> memref<32x768xf32, #tpu.memory_space<hbm>>
        %dma_wait3A_184 = arith.constant 0 : i32
        %dma_wait3A_185 = tpu.memref_slice %arg4[%mul3A_2, %dma_wait3A_184] : memref<65536x768xf32, #tpu.memory_space<hbm>> -> memref<32x768xf32, #tpu.memory_space<hbm>>
        tpu.wait_dma2 semaphore(%arg11 : memref<!tpu.dma_semaphore, #tpu.memory_space<semaphore_mem>>) src(%arg7 : memref<32x768xf32, #tpu.memory_space<vmem>>) dst(%dma_wait3A_185 : memref<32x768xf32, #tpu.memory_space<hbm>>)
        %add3A_186 = arith.constant 2 : i32
        %add3A_187 = arith.addi %add3A_135, %add3A_186 : i32
        %sub3A_188 = arith.constant 1 : i32
        %sub3A_189 = arith.subi %add3A_187, %sub3A_188 : i32
        %dma_start3A_190 = arith.constant 0 : i32
        %dma_start3A_191 = tpu.memref_slice %arg5[%sub3A_189, %dma_start3A_190] : memref<32x32xi32, #tpu.memory_space<vmem>> -> memref<1x32xi32, #tpu.memory_space<vmem>>
        %dma_start3A_192 = tpu.memref_squeeze %dma_start3A_191 : memref<1x32xi32, #tpu.memory_space<vmem>> -> memref<32xi32, #tpu.memory_space<vmem>>
        %dma_start3A_193 = arith.constant 0 : i32
        %dma_start3A_194 = arith.constant 0 : i32
        %dma_start3A_195 = tpu.memref_slice %arg2[%dma_start3A_193, %dma_start3A_194] : memref<65536x768xf32, #tpu.memory_space<hbm>> -> memref<65536x768xf32, #tpu.memory_space<hbm>>
        tpu.enqueue_indirect_dma source(%dma_start3A_195 : memref<65536x768xf32, #tpu.memory_space<hbm>>) target(%arg7 : memref<32x768xf32, #tpu.memory_space<vmem>>) offsets(%dma_start3A_192 : memref<32xi32, #tpu.memory_space<vmem>>) semaphore(%arg9 : memref<!tpu.dma_semaphore, #tpu.memory_space<semaphore_mem>>)
      } else {
      }
    }
    %scan3A_37 = arith.constant 16 : i32
    %dma_wait3A_38 = arith.constant 0 : i32
    %dma_wait3A_39 = tpu.memref_slice %arg4[%mul3A_2, %dma_wait3A_38] : memref<65536x768xf32, #tpu.memory_space<hbm>> -> memref<32x768xf32, #tpu.memory_space<hbm>>
    %dma_wait3A_40 = arith.constant 0 : i32
    %dma_wait3A_41 = tpu.memref_slice %arg4[%mul3A_2, %dma_wait3A_40] : memref<65536x768xf32, #tpu.memory_space<hbm>> -> memref<32x768xf32, #tpu.memory_space<hbm>>
    tpu.wait_dma2 semaphore(%arg11 : memref<!tpu.dma_semaphore, #tpu.memory_space<semaphore_mem>>) src(%arg7 : memref<32x768xf32, #tpu.memory_space<vmem>>) dst(%dma_wait3A_41 : memref<32x768xf32, #tpu.memory_space<hbm>>)
    %dma_wait3A_42 = arith.constant 0 : i32
    %dma_wait3A_43 = tpu.memref_slice %arg4[%mul3A_2, %dma_wait3A_42] : memref<65536x768xf32, #tpu.memory_space<hbm>> -> memref<32x768xf32, #tpu.memory_space<hbm>>
    %dma_wait3A_44 = arith.constant 0 : i32
    %dma_wait3A_45 = tpu.memref_slice %arg4[%mul3A_2, %dma_wait3A_44] : memref<65536x768xf32, #tpu.memory_space<hbm>> -> memref<32x768xf32, #tpu.memory_space<hbm>>
    tpu.wait_dma2 semaphore(%arg12 : memref<!tpu.dma_semaphore, #tpu.memory_space<semaphore_mem>>) src(%arg8 : memref<32x768xf32, #tpu.memory_space<vmem>>) dst(%dma_wait3A_45 : memref<32x768xf32, #tpu.memory_space<hbm>>)
    %dma_wait3A_46 = arith.constant 0 : i32
    %dma_wait3A_47 = arith.constant 0 : i32
    %dma_wait3A_48 = tpu.memref_slice %arg4[%mul3A_2, %dma_wait3A_47] : memref<65536x768xf32, #tpu.memory_space<hbm>> -> memref<32x768xf32, #tpu.memory_space<hbm>>
    %dma_wait3A_49 = arith.constant 0 : i32
    %dma_wait3A_50 = arith.constant 0 : i32
    %dma_wait3A_51 = tpu.memref_slice %arg6[%arg1, %dma_wait3A_46, %dma_wait3A_49, %dma_wait3A_50] : memref<16x2x32x768xf32, #tpu.memory_space<vmem_shared>> -> memref<1x1x32x768xf32, #tpu.memory_space<vmem_shared>>
    %dma_wait3A_52 = tpu.memref_squeeze %dma_wait3A_51 : memref<1x1x32x768xf32, #tpu.memory_space<vmem_shared>> -> memref<32x768xf32, #tpu.memory_space<vmem_shared>>
    tpu.wait_dma2 semaphore(%arg15 : memref<!tpu.dma_semaphore, #tpu.memory_space<semaphore_mem>>) src(%dma_wait3A_52 : memref<32x768xf32, #tpu.memory_space<vmem_shared>>) dst(%dma_wait3A_48 : memref<32x768xf32, #tpu.memory_space<hbm>>)
    %dma_wait3A_53 = arith.constant 1 : i32
    %dma_wait3A_54 = arith.constant 0 : i32
    %dma_wait3A_55 = tpu.memref_slice %arg4[%mul3A_2, %dma_wait3A_54] : memref<65536x768xf32, #tpu.memory_space<hbm>> -> memref<32x768xf32, #tpu.memory_space<hbm>>
    %dma_wait3A_56 = arith.constant 0 : i32
    %dma_wait3A_57 = arith.constant 0 : i32
    %dma_wait3A_58 = tpu.memref_slice %arg6[%arg1, %dma_wait3A_53, %dma_wait3A_56, %dma_wait3A_57] : memref<16x2x32x768xf32, #tpu.memory_space<vmem_shared>> -> memref<1x1x32x768xf32, #tpu.memory_space<vmem_shared>>
    %dma_wait3A_59 = tpu.memref_squeeze %dma_wait3A_58 : memref<1x1x32x768xf32, #tpu.memory_space<vmem_shared>> -> memref<32x768xf32, #tpu.memory_space<vmem_shared>>
    tpu.wait_dma2 semaphore(%arg16 : memref<!tpu.dma_semaphore, #tpu.memory_space<semaphore_mem>>) src(%dma_wait3A_59 : memref<32x768xf32, #tpu.memory_space<vmem_shared>>) dst(%dma_wait3A_55 : memref<32x768xf32, #tpu.memory_space<hbm>>)
    return
  }
}

</mosaic_0001>

<sc_bundles>
// kernel: kernel.3.cloned.1.call-start
scs
__scs_entry_jumppad:
0x0: {  	(pc) =	sbr.rel $0x88, $3  }
0x1: {  	(tag) =	ssettag $0x0;
	lr =	simm.s32 $0x1  }
0x2: {  	[smem:$0x3FA0] =	sst lr;
	_ =	strace $0xD0000000  }
0x3: {  	_ = 	snop  }
0x4: {  	_ = 	snop  }
0x5: {  	_ = 	snop  }
0x6: {  	_ = 	snop  }
0x7: {  	_ = 	snop  }
__scs_overlays_trampoline_lowered:
0x8: {  	[smem:$0x3FAF] =	sst s0  }
0x9: {  	[smem:$0x3FB0] =	sst s1  }
0xa: {  	[smem:$0x3FB1] =	sst s2  }
0xb: {  	[smem:$0x3FB2] =	sst s3  }
0xc: {  	[smem:$0x3FB3] =	sst s4  }
0xd: {  	[smem:$0x3FB4] =	sst s5  }
0xe: {  	[smem:$0x3FB5] =	sst s6  }
0xf: {  	[smem:$0x3FB6] =	sst s7  }
0x10: {  	[smem:$0x3FB7] =	sst s8  }
0x11: {  	[smem:$0x3FB8] =	sst s9;
	s0 =	simm.s32 @!p0 $0x0  }
0x12: {  	s1 =	sld [smem:$0x3F9E];
	s0 =	simm.s32 @p0 $0x1  }
0x13: {  	[smem:$0x3FB9] =	sst s0;
	s0 =	simm.s32 @!p1 $0x0  }
0x14: {  	s2 =	sld [smem:$0x3F9D];
	s0 =	simm.s32 @p1 $0x1  }
0x15: {  	[smem:$0x3FBA] =	sst s0;
	s0 =	simm.s32 @!p2 $0x0  }
0x16: {  	s3 =	sld [smem:$0x3FDB];
	s0 =	simm.s32 @p2 $0x1  }
0x17: {  	s4 =	simm.s32 $0x1BF5;
	[smem:$0x3FBC] =	sst s0  }
0x18: {  	s0 =	sld [smem:$0x3F9F];
	_ =	swait.ge [sflag:s4], $0x0  }
0x19: {  	s7 =	sld [smem:$0x3FA0]  }
0x1a: {  	s8 =	sadd.s32 $0xFFFFE003, lr  }
0x1b: {  	s9 =	sadd.s32 $0xFFFFFEF7, lr;
	s5 =	simm.s32 $0xFFFFFFFF;
	p2 =	slt.u32 s8, $0xFFFFF086  }
0x1c: {  	p1 =	slt.u32 s9, $0xF7A;
	s5 =	simm.s32 @!p2 $0x0  }
0x1d: {  	s5 =	simm.s32 @p1 $0x1;
	p0 =	seq.s32 s7, s2  }
0x1e: {  	s7 =	smul.u32 @!p0 $0xF7A, s2;
	p2 =	seq.s32 @!p0 s5, $0x0  }
0x1f: {  	s9 =	smul.u32 $0xF7A, s1;
	s8 =	simm.s32 @!p0 $0x1BF5;
	p2 =	por !p2, p0  }
0x20: {  	[sflag:s8] =	ssyncset.s32 @!p0 $0xFFFFF086;
	s6 =	sadd.s32 @!p0 s3, s7;
	s7 =	simm.s32 @!p0 $0x108  }
0x21: {  	s3 =	sadd.s32 s3, s9;
	s6 =	sadd.s32 @!p0 $0x88, s6;
	s7 =	simm.s32 @p2 $0x1082  }
0x22: {  	[simem:s7], [sflag:s8] =	dma.local @!p0 [hbm:s6], $0xF7A  }
0x23: {  	s9 =	sor.u32 $0xD0000000, s2;
	s6 =	simm.s32 $0x108;
	_ =	swait.ge @!p0 [sflag:s8], $0x0  }
0x24: {  	s3 =	sadd.s32 $0x88, s3;
	s6 =	simm.s32 @!p1 $0x1082;
	[sflag:s4] =	ssyncset.s32 $0xFFFFF086  }
0x25: {  	[simem:s6], [sflag:s4] =	dma.local [hbm:s3], $0xF7A  }
0x26: {  	[smem:$0x3FA0] =	sst s1;
	(tag) =	ssettag s2;
	_ =	strace s9  }
0x27: {  	s1 =	sld [smem:$0x3FB0]  }
0x28: {  	s2 =	sld [smem:$0x3FB1]  }
0x29: {  	s4 =	sld [smem:$0x3FB3]  }
0x2a: {  	p0 =	seq.s32 s5, $0x0;
	s5 =	sld [smem:$0x3FB4]  }
0x2b: {  	s6 =	sld [smem:$0x3FB5]  }
0x2c: {  	s7 =	sld [smem:$0x3FB6]  }
0x2d: {  	s3 =	simm.s32 $0x108;
	s8 =	sld [smem:$0x3FB7]  }
0x2e: {  	s3 =	simm.s32 @!p0 $0x1082;
	s9 =	sld [smem:$0x3FB8]  }
0x2f: {  	lr =	sadd.s32 s0, s3;
	s0 =	sld [smem:$0x3FAF]  }
0x30: {  	s3 =	sld [smem:$0x3FB2]  }
0x31: {  	[smem:$0x3FBB] =	sst s10  }
0x32: {  	s10 =	sld [smem:$0x3FB9];
	_ =	sdelay $0x3  }
0x33: {  	p0 =	seq.s32 s10, $0x1;
	s10 =	sld [smem:$0x3FBB];
	_ =	sdelay $0x3  }
0x34: {  	[smem:$0x3FBB] =	sst s10  }
0x35: {  	s10 =	sld [smem:$0x3FBA];
	_ =	sdelay $0x3  }
0x36: {  	p1 =	seq.s32 s10, $0x1;
	s10 =	sld [smem:$0x3FBB];
	_ =	sdelay $0x3  }
0x37: {  	[smem:$0x3FBB] =	sst s10  }
0x38: {  	s10 =	sld [smem:$0x3FBC]  }
0x39: {  	_ = 	snop;
	(pc) =	sbr.ind lr, $3  }
0x3a: {  	_ = 	snop  }
0x3b: {  	_ = 	snop  }
0x3c: {  	p2 =	seq.s32 s10, $0x1;
	s10 =	sld [smem:$0x3FBB]  }
0x3d: {  	_ =	shalt  }
0x3e: {  	_ =	shalt  }
0x3f: {  	_ =	shalt  }
0x40: {  	_ =	shalt  }
0x41: {  	_ =	shalt  }
0x42: {  	_ =	shalt  }
0x43: {  	_ =	shalt  }
0x44: {  	_ =	shalt  }
0x45: {  	_ =	shalt  }
0x46: {  	_ =	shalt  }
0x47: {  	_ =	shalt  }
0x48: {  	_ =	shalt  }
0x49: {  	_ =	shalt  }
0x4a: {  	_ =	shalt  }
0x4b: {  	_ =	shalt  }
0x4c: {  	_ =	shalt  }
0x4d: {  	_ =	shalt  }
0x4e: {  	_ =	shalt  }
0x4f: {  	_ =	shalt  }
0x50: {  	_ =	shalt  }
0x51: {  	_ =	shalt  }
0x52: {  	_ =	shalt  }
0x53: {  	_ =	shalt  }
0x54: {  	_ =	shalt  }
0x55: {  	_ =	shalt  }
0x56: {  	_ =	shalt  }
0x57: {  	_ =	shalt  }
0x58: {  	_ =	shalt  }
0x59: {  	_ =	shalt  }
0x5a: {  	_ =	shalt  }
0x5b: {  	_ =	shalt  }
0x5c: {  	_ =	shalt  }
0x5d: {  	_ =	shalt  }
0x5e: {  	_ =	shalt  }
0x5f: {  	_ =	shalt  }
0x60: {  	_ =	shalt  }
0x61: {  	_ =	shalt  }
0x62: {  	_ =	shalt  }
0x63: {  	_ =	shalt  }
0x64: {  	_ =	shalt  }
0x65: {  	_ =	shalt  }
0x66: {  	_ =	shalt  }
0x67: {  	_ =	shalt  }
0x68: {  	_ =	shalt  }
0x69: {  	_ =	shalt  }
0x6a: {  	_ =	shalt  }
0x6b: {  	_ =	shalt  }
0x6c: {  	_ =	shalt  }
0x6d: {  	_ =	shalt  }
0x6e: {  	_ =	shalt  }
0x6f: {  	_ =	shalt  }
0x70: {  	_ =	shalt  }
0x71: {  	_ =	shalt  }
0x72: {  	_ =	shalt  }
0x73: {  	_ =	shalt  }
0x74: {  	_ =	shalt  }
0x75: {  	_ =	shalt  }
0x76: {  	_ =	shalt  }
0x77: {  	_ =	shalt  }
0x78: {  	_ =	shalt  }
0x79: {  	_ =	shalt  }
0x7a: {  	_ =	shalt  }
0x7b: {  	_ =	shalt  }
0x7c: {  	_ =	shalt  }
0x7d: {  	_ =	shalt  }
0x7e: {  	_ =	shalt  }
0x7f: {  	_ =	shalt  }
0x80: {  	_ =	shalt  }
0x81: {  	_ =	shalt  }
0x82: {  	_ =	shalt  }
0x83: {  	_ =	shalt  }
0x84: {  	_ =	shalt  }
0x85: {  	_ =	shalt  }
0x86: {  	_ =	shalt  }
0x87: {  	_ =	shalt  }
.Lfunc_end0:
.L_simem_size_0:
called_computation_lowered:
.L_overlay_start_0:
0x88: {  	s2 =	sld [smem:$0x3FD9]  }
0x89: {  	s3 =	sld [smem:$0x3FFE];
	_ =	sdelay $0x1  }
0x8a: {  	s1 =	srdreg.scid  }
0x8b: {  	s0 =	sand.u32 $0x1, s1  }
0x8c: {  	s17 =	sshll.u32 s0, $0xA;
	s2 =	sadd.s32 s3, s2  }
0x8d: {  	s2 =	sadd.s32 s2, s17  }
0x8e: {  	[smem:$0x3FC7] =	sst s2  }
0x8f: {  	_ = 	snop  }
0x90: {  	s2 =	sld [smem:$0x3FC9]  }
0x91: {  	s18 =	sld [smem:$0x3FD0];
	(tm) =	ssettm $0x1  }
0x92: {  	s4 =	sld [smem:$0x3FFB];
	_ =	sdelay $0x3  }
0x93: {  	_ =	strace s4  }
0x94: {  	s4 =	sld [smem:$0x3FFC];
	_ =	sdelay $0x3  }
0x95: {  	_ =	strace s4  }
0x96: {  	s4 =	sld [smem:$0x3FFD];
	_ =	sdelay $0x3  }
0x97: {  	_ =	strace s4  }
0x98: {  	_ =	strace $0x8FFFFFFF  }
0x99: {  	s19 =	sld [smem:$0x3FDB];
	_ =	sdelay $0x1  }
0x9a: {  	s5 =	simm.s32 $_scs_section_size  }
0x9b: {  	s6 =	simm.s32 $_size__tile_overlayer_lowered;
	s7 =	simm.s32 $_tile_overlayer_lowered  }
0x9c: {  	s22 =	simm.s32 $0x1BFF;
	s21 =	sshll.u32 s7, $0x1;
	s4 =	sadd.s32 s5, s19  }
0x9d: {  	s8 =	simm.s32 $0x0;
	s20 =	sshll.u32 s6, $0x1;
	s6 =	sadd.s32 s21, s4  }
0x9e: {  	[timem:s8], [sflag:s22] =	dma.local [hbm:s6], s20  }
0x9f: {  	_ =	swait.ge [sflag:s22], s20  }
0xa0: {  	s5 =	ssub.s32 $0x0, s20;
	[sflag:s22] =	ssyncset.done $0x0  }
0xa1: {  	[sflag:s22] =	ssyncadd.s32 s5;
	_ =	sdelay $0x1  }
0xa2: {  	s23 =	simm.s32 $0x1B8B  }
0xa3: {  	_ =	swait.ge [sflag:s23], $0x1  }
0xa4: {  	[sflag:s23] =	ssyncset.done $0x0  }
0xa5: {  	s25 =	simm.s32 $0x1B8E;
	s24 =	sld [smem:$0x3FFE];
	[sflag:s23] =	ssyncadd.s32 $0xFFFFFFFF  }
0xa6: {  	s26 =	simm.s32 $execute0_lowered;
	[smem:$0x3FD2] =	sst s25  }
0xa7: {  	s6 =	sshll.u32 s26, $0x1;
	_ =	strace $0x80000046;
	[dreg:$0x1] =	wrdreg $0xFFFFFFFF  }
0xa8: {  	s28 =	simm.s32 $_size_execute0_lowered;
	s4 =	sadd.s32 s4, s6;
	[dreg:$0x0] =	wrdreg $0x0  }
0xa9: {  	s6 =	sshll.u32 s28, $0x1;
	[dreg:$0x2] =	wrdreg s4  }
0xaa: {  	[dreg:$0x3] =	wrdreg s6  }
0xab: {  	[dreg:$0x4] =	wrdreg $0xC0  }
0xac: {  	_ =	task [dreg:s8], $0x5FFFF  }
0xad: {  	[dreg:$0x1] =	wrdreg $0xFFFFFFFF  }
0xae: {  	[dreg:$0x0] =	wrdreg $0x60  }
0xaf: {  	[dreg:$0x2] =	wrdreg s2  }
0xb0: {  	[dreg:$0x3] =	wrdreg s24  }
0xb1: {  	[dreg:$0x4] =	wrdreg s18  }
0xb2: {  	[dreg:$0x5] =	wrdreg $0x10000  }
0xb3: {  	[dreg:$0x6] =	wrdreg $0x9  }
0xb4: {  	_ =	task.clear_ibuf [dreg:s8], $0x7FFFF;
	_ =	strace $0x90000046  }
0xb5: {  	s29 =	simm.s32 $0x9;
	_ =	strace $0x80000048  }
0xb6: {  	_ =	swait.ge [sflag:s29], $0x1  }
0xb7: {  	[sflag:s29] =	ssyncadd.s32 $0xFFFFFFFF  }
0xb8: {  	_ =	strace $0x90000048  }
0xb9: {  	_ =	sfence  }
0xba: {  	s30 =	sld [smem:$0x0];
	_ =	sdelay $0x2  }
0xbb: {  	s31 =	sshll.u32 s1, $0xD;
	s1 =	sshrl.u32 s1, $0x2  }
0xbc: {  	s3 =	sand.u32 $0x4000, s31;
	s1 =	sadd.s32 s1, s30  }
0xbd: {  	s0 =	sor.u32 s3, s0;
	s1 =	sshll.u32 s1, $0x11  }
0xbe: {  	s0 =	sor.u32 s1, s0  }
0xbf: {  	s0 =	sadd.s32 $0x8F2B, s0  }
0xc0: {  	[sflag:s0] =	ssyncadd.remote.s32 $0x1  }
0xc1: {  	_ =	sfence.sel $0xFFFF  }
0xc2: {  	[dreg:$0x0] =	wrdreg $0xFFFFFFFF;
	(pc) =	sbr.abs _section_cstart, $3  }
0xc3: {  	[dreg:$0x1] =	wrdreg $0xFFFFFFFF  }
0xc4: {  	_ =	task.clear_ibuf [dreg:s8], $0x2FFFF;
	_ =	strace $0x9FFFFFFF  }
0xc5: {  	(tm) =	ssettm $0x7FFFFFFF  }
tec
execute0_lowered:
.L_overlay_start_1:
0x0: {  	(tag) =	ssettag $0x1  }
0x1: {  	s1 =	rddreg [dreg:$0x0]  }
0x2: {  	s0 =	rddreg [dreg:$0x1]  }
0x3: {  	s2 =	rddreg [dreg:$0x2]  }
0x4: {  	s3 =	srdreg.scid;
	s11 =	stileid.u32  }
0x5: {  	s4 =	rddreg [dreg:$0x3];
	s19 =	simm.s32 $0xD000;
	s28 =	simm.s32 $0x18800  }
0x6: {  	s29 =	simm.s32 $0x6;
	s30 =	simm.s32 $0x2;
	s31 =	simm.s32 $0x3  }
0x7: {  	s18 =	simm.s32 $0x0;
	s5 =	sand.u32 $0x1, s3;
	s6 =	sshll.u32 s11, $0x1  }
0x8: {  	s3 =	simm.s32 $0x0;
	s9 =	smul.u32 $0x30000, s11;
	s10 =	sshll.u32 s11, $0xC  }
0x9: {  	s6 =	sor.u32 s5, s6;
	[smem:$0x7FF] =	sst s3;
	s8 =	ssub.s32 $0x2, s5  }
0xa: {  	s5 =	sshll.u32 s5, $0xB;
	s7 =	sshll.u32 s6, $0x9;
	_ =	strace $0x80000047  }
0xb: {  	s20 =	sshrl.u32 s8, $0x1;
	s21 =	sor.u32 s5, s10;
	s22 =	sshrl.u32 s9, $0x2  }
0xc: {  	s6 =	smul.u32 $0x30000, s6;
	s9 =	sadd.s32 $0x100, s1;
	s10 =	sadd.s32 $0x200, s1  }
0xd: {  	s0 =	sadd.s32 s7, s0;
	s12 =	ssub.s32 s8, s20;
	s23 =	sor.u32 $0x40, s21  }
0xe: {  	s5 =	sadd.s32 s22, s4;
	s25 =	sor.u32 $0x80, s21;
	s7 =	sshll.u32 s11, $0x6  }
0xf: {  	s0 =	sadd.s32 $0x400, s0;
	s24 =	sshrl.u32 s23, $0x3;
	s6 =	sadd.s32 s1, s6  }
0x10: {  	s26 =	sshrl.u32 s25, $0x3;
	s8 =	sor.u32 $0x1C05, s7;
	s11 =	sadd.s32 $0x6000, s5  }
0x11: {  	s12 =	smax.u32 s12, $0x1;
	s17 =	sshrl.u32 s5, $0x3;
	s4 =	smul.u32 $0x300, s24  }
0x12: {  	s23 =	simm.s32 $0x16800;
	[dreg:$0x6] =	wrdreg s6;
	s6 =	smul.u32 $0x300, s26  }
.Ltmp0:
0x13: {  	s25 =	simm.s32 $0x17800;
	[dreg:$0x5] =	wrdreg s0;
	(pc) =	sbr.rel .LBB2_1-.Ltmp0, $4  }
0x14: {  	s0 =	sshrl.u32 s21, $0x3;
	[dreg:$0x7] =	wrdreg s12;
	s24 =	simm.s32 $0x17000  }
0x15: {  	v2 =	vlaneseq.u32;
	s26 =	simm.s32 $0x18000;
	s0 =	smul.u32 $0x300, s0;
	s13 =	sadd.s32 s4, s2  }
0x16: {  	vm0 =	vmmov $0xffff;
	v1 =	vshrl.u32 v2, $0x3;
	s14 =	sadd.s32 s6, s1;
	s16 =	sadd.s32 s4, s1;
	s4 =	simm.s32 $0x13000  }
0x17: {  	v0 =	vand.u32 $0x7, v2;
	v2 =	vor.u32 $0x8, v2;
	v1 =	vmul.u32 $0x8, v1;
	s15 =	sadd.s32 s0, s2;
	s2 =	simm.s32 $0x5;
	s0 =	simm.s32 $0x1  }
.LBB2_4:
0x18: {  	s6 =	simm.s32 $0x4  }
0x19: {  	_ =	swait.ge [sflag:s6], $0x6000  }
0x1a: {  	[sflag:s6] =	ssyncset.done $0x0  }
0x1b: {  	s21 =	simm.s32 $0x7;
	[sflag:s6] =	ssyncadd.s32 $0xFFFFA000  }
0x1c: {  	_ =	swait.ge [sflag:s21], $0xC00  }
0x1d: {  	[sflag:s21] =	ssyncset.done $0x0  }
0x1e: {  	s12 =	simm.s32 $0x8;
	[sflag:s21] =	ssyncadd.s32 $0xFFFFF400  }
0x1f: {  	_ =	swait.ge [sflag:s12], $0xC00  }
0x20: {  	s18 =	rddreg [dreg:$0x8]  }
0x21: {  	s22 =	rddreg [dreg:$0x7];
	s18 =	sadd.s32 $0x1, s18  }
0x22: {  	p0 =	sne.s32 s18, s22  }
.Ltmp1:
0x23: {  	_ = 	snop;
	(pc) =	sbr.rel @!p0 .LBB2_5-.Ltmp1, $3  }
0x24: {  	_ =	sdelay $0x1  }
0x25: {  	[sflag:s12] =	ssyncset.done $0x0  }
0x26: {  	[sflag:s12] =	ssyncadd.s32 $0xFFFFF400  }
.LBB2_1:
0x27: {  	[dreg:$0x8] =	wrdreg s18  }
0x28: {  	s6 =	rddreg [dreg:$0x5]  }
0x29: {  	s20 =	rddreg [dreg:$0x6];
	s21 =	simm.s32 $0x9  }
0x2a: {  	[tilespmem:s3], [sflag:$0x9] =	stream.linear.gather [hbm4b:s6+s3], $0x1000, $0x38;
	[tilespmem:$0x19000] =	vst v63  }
0x2b: {  	[spmem:s17], [sflag:s8] =	dma.local [hbm:s20], $0xC00  }
0x2c: {  	_ =	swait.ge [sflag:s21], $0x1000  }
0x2d: {  	[sflag:s21] =	ssyncset.done $0x0  }
0x2e: {  	[sflag:s21] =	ssyncadd.s32 $0xFFFFF000  }
0x2f: {  	v3 =	vld [tilespmem:$0x0];
	_ =	sdelay $0x4  }
0x30: {  	v4 =	vshrl.u32 v3, $0x3  }
0x31: {  	v4 =	vmul.u32 $0x30, v4  }
0x32: {  	v3 =	vand.u32 $0x7, v3  }
0x33: {  	v3 =	vor.u32 v3, v4  }
0x34: {  	v4 =	vperm.xlane v3, v0;
	_ =	sdelay $0x1  }
0x35: {  	v4 =	vadd.s32 v1, v4;
	_ =	sdelay $0x3  }
0x36: {  	v3 =	vperm.xlane v3, v2  }
0x37: {  	[tilespmem:s19], [sflag:$0x1] =	stream.indirect_vreg.gather [hbm4b:s1+s3], $0x80, v4, vm0, $0xb8;
	[tilespmem:$0x19000] =	vst v63  }
0x38: {  	s22 =	simm.s32 $0xD800;
	v3 =	vadd.s32 v1, v3  }
0x39: {  	[tilespmem:s22], [sflag:$0x1] =	stream.indirect_vreg.gather [hbm4b:s9+s3], $0x80, v4, vm0, $0xb8;
	[tilespmem:$0x19000] =	vst v63  }
0x3a: {  	s12 =	simm.s32 $0xE000  }
0x3b: {  	[tilespmem:s12], [sflag:$0x1] =	stream.indirect_vreg.gather [hbm4b:s10+s3], $0x80, v4, vm0, $0xb8;
	[tilespmem:$0x19000] =	vst v63  }
0x3c: {  	s18 =	simm.s32 $0xE800  }
0x3d: {  	[tilespmem:s18], [sflag:$0x1] =	stream.indirect_vreg.gather [hbm4b:s1+s3], $0x80, v3, vm0, $0xb8;
	[tilespmem:$0x19000] =	vst v63  }
0x3e: {  	s20 =	simm.s32 $0xF000  }
0x3f: {  	[tilespmem:s20], [sflag:$0x1] =	stream.indirect_vreg.gather [hbm4b:s9+s3], $0x80, v3, vm0, $0xb8;
	[tilespmem:$0x19000] =	vst v63  }
0x40: {  	s21 =	simm.s32 $0xF800  }
0x41: {  	[tilespmem:s21], [sflag:$0x1] =	stream.indirect_vreg.gather [hbm4b:s10+s3], $0x80, v3, vm0, $0xb8;
	[tilespmem:$0x19000] =	vst v63  }
0x42: {  	v3 =	vld [tilespmem:$0x10];
	_ =	sdelay $0x4  }
0x43: {  	v63 =	vshrl.u32 v3, $0x3  }
0x44: {  	v4 =	vmul.u32 $0x30, v63  }
0x45: {  	v3 =	vand.u32 $0x7, v3  }
0x46: {  	v3 =	vor.u32 v3, v4  }
0x47: {  	v4 =	vperm.xlane v3, v0;
	_ =	sdelay $0x1  }
0x48: {  	v4 =	vadd.s32 v1, v4;
	_ =	sdelay $0x3  }
0x49: {  	s22 =	simm.s32 $0x10000;
	v3 =	vperm.xlane v3, v2  }
0x4a: {  	[tilespmem:s22], [sflag:$0x1] =	stream.indirect_vreg.gather [hbm4b:s1+s3], $0x80, v4, vm0, $0xb8;
	[tilespmem:$0x19000] =	vst v63  }
0x4b: {  	s12 =	simm.s32 $0x10800;
	v3 =	vadd.s32 v1, v3  }
0x4c: {  	[tilespmem:s12], [sflag:$0x1] =	stream.indirect_vreg.gather [hbm4b:s9+s3], $0x80, v4, vm0, $0xb8;
	[tilespmem:$0x19000] =	vst v63  }
0x4d: {  	s18 =	simm.s32 $0x11000  }
0x4e: {  	[tilespmem:s18], [sflag:$0x1] =	stream.indirect_vreg.gather [hbm4b:s10+s3], $0x80, v4, vm0, $0xb8;
	[tilespmem:$0x19000] =	vst v63  }
0x4f: {  	s20 =	simm.s32 $0x11800  }
0x50: {  	[tilespmem:s20], [sflag:$0x1] =	stream.indirect_vreg.gather [hbm4b:s1+s3], $0x80, v3, vm0, $0xb8;
	[tilespmem:$0x19000] =	vst v63  }
0x51: {  	s21 =	simm.s32 $0x12000  }
0x52: {  	[tilespmem:s21], [sflag:$0x1] =	stream.indirect_vreg.gather [hbm4b:s9+s3], $0x80, v3, vm0, $0xb8;
	[tilespmem:$0x19000] =	vst v63  }
0x53: {  	s6 =	simm.s32 $0x90;
	s22 =	simm.s32 $0x12800;
	s12 =	simm.s32 $0x0  }
0x54: {  	[tilespmem:s22], [sflag:$0x1] =	stream.indirect_vreg.gather [hbm4b:s10+s3], $0x80, v3, vm0, $0xb8;
	[tilespmem:$0x19000] =	vst v63  }
.LBB2_2:
0x55: {  	_ =	swait.ge [sflag:s2], $0xC00  }
0x56: {  	s18 =	sadd.s32 s12, s15;
	[sflag:s2] =	ssyncset.done $0x0  }
0x57: {  	s20 =	sor.u32 $0x1C07, s7;
	p0 =	seq.s32 s12, $0x0;
	[sflag:s2] =	ssyncadd.s32 $0xFFFFF400  }
0x58: {  	[hbm:s18], [sflag:s20] =	dma.local [spmem:s17], $0xC00  }
0x59: {  	s20 =	simm.s32 @!p0 $0x8  }
0x5a: {  	_ =	swait.ge @!p0 [sflag:s20], $0xC00  }
0x5b: {  	s21 =	sor.u32 $0x1C06, s7;
	[sflag:s20] =	ssyncset.done @!p0 $0x0  }
0x5c: {  	s22 =	sshrl.u32 s11, $0x3;
	[sflag:s20] =	ssyncadd.s32 @!p0 $0xFFFFF400;
	s20 =	sadd.s32 s12, s16  }
0x5d: {  	[spmem:s22], [sflag:s21] =	dma.local [hbm:s20], $0xC00  }
0x5e: {  	_ =	swait.ge [sflag:s0], $0x6000  }
0x5f: {  	[sflag:s0] =	ssyncset.done $0x0  }
0x60: {  	s18 =	sadd.s32 $0xC00, s18;
	[sflag:s0] =	ssyncadd.s32 $0xFFFFA000  }
0x61: {  	[hbm4b:s18+s3] =	stream.linear.scatter [tilespmem:s19], [sflag:$0x3], $0x6000, $0x38;
	[tilespmem:$0x19000] =	vst v63  }
0x62: {  	s18 =	simm.s32 @!p0 $0x4  }
0x63: {  	_ =	swait.ge @!p0 [sflag:s18], $0x6000  }
0x64: {  	[sflag:s18] =	ssyncset.done @!p0 $0x0  }
0x65: {  	[sflag:s18] =	ssyncadd.s32 @!p0 $0xFFFFA000  }
0x66: {  	v3 =	vld [tilespmem:s6+$0xFFFFFFF0];
	_ =	sdelay $0x4  }
0x67: {  	v4 =	vshrl.u32 v3, $0x3  }
0x68: {  	v4 =	vmul.u32 $0x30, v4  }
0x69: {  	v3 =	vand.u32 $0x7, v3  }
0x6a: {  	v3 =	vor.u32 v3, v4  }
0x6b: {  	v4 =	vperm.xlane v3, v0;
	_ =	sdelay $0x1  }
0x6c: {  	v4 =	vadd.s32 v1, v4;
	_ =	sdelay $0x3  }
0x6d: {  	v3 =	vperm.xlane v3, v2  }
0x6e: {  	[tilespmem:s4], [sflag:$0x2] =	stream.indirect_vreg.gather [hbm4b:s1+s3], $0x80, v4, vm0, $0xb8;
	[tilespmem:$0x19000] =	vst v63  }
0x6f: {  	s21 =	simm.s32 $0x13800;
	v3 =	vadd.s32 v1, v3  }
0x70: {  	[tilespmem:s21], [sflag:$0x2] =	stream.indirect_vreg.gather [hbm4b:s9+s3], $0x80, v4, vm0, $0xb8;
	[tilespmem:$0x19000] =	vst v63  }
0x71: {  	s20 =	simm.s32 $0x14000  }
0x72: {  	[tilespmem:s20], [sflag:$0x2] =	stream.indirect_vreg.gather [hbm4b:s10+s3], $0x80, v4, vm0, $0xb8;
	[tilespmem:$0x19000] =	vst v63  }
0x73: {  	s21 =	simm.s32 $0x14800  }
0x74: {  	[tilespmem:s21], [sflag:$0x2] =	stream.indirect_vreg.gather [hbm4b:s1+s3], $0x80, v3, vm0, $0xb8;
	[tilespmem:$0x19000] =	vst v63  }
0x75: {  	s20 =	simm.s32 $0x15000  }
0x76: {  	[tilespmem:s20], [sflag:$0x2] =	stream.indirect_vreg.gather [hbm4b:s9+s3], $0x80, v3, vm0, $0xb8;
	[tilespmem:$0x19000] =	vst v63  }
0x77: {  	s21 =	simm.s32 $0x15800  }
0x78: {  	[tilespmem:s21], [sflag:$0x2] =	stream.indirect_vreg.gather [hbm4b:s10+s3], $0x80, v3, vm0, $0xb8;
	[tilespmem:$0x19000] =	vst v63  }
0x79: {  	v3 =	vld [tilespmem:s6+$0x0];
	_ =	sdelay $0x4  }
0x7a: {  	v63 =	vshrl.u32 v3, $0x3  }
0x7b: {  	v4 =	vmul.u32 $0x30, v63  }
0x7c: {  	v3 =	vand.u32 $0x7, v3  }
0x7d: {  	v3 =	vor.u32 v3, v4  }
0x7e: {  	v4 =	vperm.xlane v3, v0;
	_ =	sdelay $0x1  }
0x7f: {  	v4 =	vadd.s32 v1, v4;
	_ =	sdelay $0x3  }
0x80: {  	s20 =	simm.s32 $0x16000;
	v3 =	vperm.xlane v3, v2  }
0x81: {  	[tilespmem:s20], [sflag:$0x2] =	stream.indirect_vreg.gather [hbm4b:s1+s3], $0x80, v4, vm0, $0xb8;
	[tilespmem:$0x19000] =	vst v63  }
0x82: {  	v3 =	vadd.s32 v1, v3  }
0x83: {  	[tilespmem:s23], [sflag:$0x2] =	stream.indirect_vreg.gather [hbm4b:s9+s3], $0x80, v4, vm0, $0xb8;
	[tilespmem:$0x19000] =	vst v63  }
0x84: {  	_ = 	snop  }
0x85: {  	[tilespmem:s24], [sflag:$0x2] =	stream.indirect_vreg.gather [hbm4b:s10+s3], $0x80, v4, vm0, $0xb8;
	[tilespmem:$0x19000] =	vst v63  }
0x86: {  	_ = 	snop  }
0x87: {  	[tilespmem:s25], [sflag:$0x2] =	stream.indirect_vreg.gather [hbm4b:s1+s3], $0x80, v3, vm0, $0xb8;
	[tilespmem:$0x19000] =	vst v63  }
0x88: {  	_ = 	snop  }
0x89: {  	[tilespmem:s26], [sflag:$0x2] =	stream.indirect_vreg.gather [hbm4b:s9+s3], $0x80, v3, vm0, $0xb8;
	[tilespmem:$0x19000] =	vst v63  }
0x8a: {  	_ = 	snop  }
0x8b: {  	[tilespmem:s28], [sflag:$0x2] =	stream.indirect_vreg.gather [hbm4b:s10+s3], $0x80, v3, vm0, $0xb8;
	[tilespmem:$0x19000] =	vst v63  }
0x8c: {  	_ =	swait.ge [sflag:s29], $0xC00  }
0x8d: {  	s18 =	sadd.s32 s12, s13;
	p0 =	seq.s32 s12, $0x2D000;
	[sflag:s29] =	ssyncset.done $0x0  }
0x8e: {  	s21 =	sor.u32 $0x1C08, s7;
	s20 =	simm.s32 @!p0 $0x7;
	[sflag:s29] =	ssyncadd.s32 $0xFFFFF400  }
0x8f: {  	[hbm:s18], [sflag:s21] =	dma.local [spmem:s22], $0xC00  }
0x90: {  	_ =	swait.ge @!p0 [sflag:s20], $0xC00  }
0x91: {  	[sflag:s20] =	ssyncset.done @!p0 $0x0  }
0x92: {  	s21 =	sshrl.u32 @!p0 s5, $0x3;
	[sflag:s20] =	ssyncadd.s32 @!p0 $0xFFFFF400;
	s20 =	sadd.s32 @!p0 s12, s14  }
0x93: {  	[spmem:s21], [sflag:s8] =	dma.local @!p0 [hbm:s20], $0xC00  }
0x94: {  	_ =	swait.ge [sflag:s30], $0x6000  }
0x95: {  	[sflag:s30] =	ssyncset.done $0x0  }
.Ltmp2:
0x96: {  	s18 =	sadd.s32 $0xC00, s18;
	[sflag:s30] =	ssyncadd.s32 $0xFFFFA000;
	(pc) =	sbr.rel @p0 .LBB2_4-.Ltmp2, $4  }
0x97: {  	[hbm4b:s18+s3] =	stream.linear.scatter [tilespmem:s4], [sflag:$0x4], $0x6000, $0x38;
	[tilespmem:$0x19000] =	vst v63  }
0x98: {  	_ =	swait.ge [sflag:s31], $0x6000  }
0x99: {  	[sflag:s31] =	ssyncset.done $0x0  }
0x9a: {  	[sflag:s31] =	ssyncadd.s32 $0xFFFFA000  }
0x9b: {  	v3 =	vld [tilespmem:s6+$0x70];
	_ =	sdelay $0x4  }
0x9c: {  	v4 =	vshrl.u32 v3, $0x3  }
0x9d: {  	v4 =	vmul.u32 $0x30, v4  }
0x9e: {  	v3 =	vand.u32 $0x7, v3  }
0x9f: {  	v3 =	vor.u32 v3, v4  }
0xa0: {  	v4 =	vperm.xlane v3, v0;
	_ =	sdelay $0x1  }
0xa1: {  	v4 =	vadd.s32 v1, v4;
	_ =	sdelay $0x3  }
0xa2: {  	v3 =	vperm.xlane v3, v2  }
0xa3: {  	[tilespmem:s19], [sflag:$0x1] =	stream.indirect_vreg.gather [hbm4b:s1+s3], $0x80, v4, vm0, $0xb8;
	[tilespmem:$0x19000] =	vst v63  }
0xa4: {  	s18 =	simm.s32 $0xD800;
	v3 =	vadd.s32 v1, v3  }
0xa5: {  	[tilespmem:s18], [sflag:$0x1] =	stream.indirect_vreg.gather [hbm4b:s9+s3], $0x80, v4, vm0, $0xb8;
	[tilespmem:$0x19000] =	vst v63  }
0xa6: {  	s22 =	simm.s32 $0xE000  }
0xa7: {  	[tilespmem:s22], [sflag:$0x1] =	stream.indirect_vreg.gather [hbm4b:s10+s3], $0x80, v4, vm0, $0xb8;
	[tilespmem:$0x19000] =	vst v63  }
0xa8: {  	s20 =	simm.s32 $0xE800  }
0xa9: {  	[tilespmem:s20], [sflag:$0x1] =	stream.indirect_vreg.gather [hbm4b:s1+s3], $0x80, v3, vm0, $0xb8;
	[tilespmem:$0x19000] =	vst v63  }
0xaa: {  	s21 =	simm.s32 $0xF000  }
0xab: {  	[tilespmem:s21], [sflag:$0x1] =	stream.indirect_vreg.gather [hbm4b:s9+s3], $0x80, v3, vm0, $0xb8;
	[tilespmem:$0x19000] =	vst v63  }
0xac: {  	s22 =	simm.s32 $0xF800  }
0xad: {  	[tilespmem:s22], [sflag:$0x1] =	stream.indirect_vreg.gather [hbm4b:s10+s3], $0x80, v3, vm0, $0xb8;
	[tilespmem:$0x19000] =	vst v63  }
0xae: {  	v3 =	vld [tilespmem:s6+$0x80];
	_ =	sdelay $0x4  }
0xaf: {  	v63 =	vshrl.u32 v3, $0x3  }
0xb0: {  	v4 =	vmul.u32 $0x30, v63  }
0xb1: {  	v3 =	vand.u32 $0x7, v3  }
0xb2: {  	v3 =	vor.u32 v3, v4  }
0xb3: {  	v4 =	vperm.xlane v3, v0;
	_ =	sdelay $0x1  }
0xb4: {  	v4 =	vadd.s32 v1, v4;
	_ =	sdelay $0x3  }
0xb5: {  	s20 =	simm.s32 $0x10000;
	v3 =	vperm.xlane v3, v2  }
0xb6: {  	[tilespmem:s20], [sflag:$0x1] =	stream.indirect_vreg.gather [hbm4b:s1+s3], $0x80, v4, vm0, $0xb8;
	[tilespmem:$0x19000] =	vst v63  }
0xb7: {  	s21 =	simm.s32 $0x10800;
	v3 =	vadd.s32 v1, v3  }
0xb8: {  	[tilespmem:s21], [sflag:$0x1] =	stream.indirect_vreg.gather [hbm4b:s9+s3], $0x80, v4, vm0, $0xb8;
	[tilespmem:$0x19000] =	vst v63  }
0xb9: {  	s22 =	simm.s32 $0x11000  }
0xba: {  	[tilespmem:s22], [sflag:$0x1] =	stream.indirect_vreg.gather [hbm4b:s10+s3], $0x80, v4, vm0, $0xb8;
	[tilespmem:$0x19000] =	vst v63  }
0xbb: {  	s20 =	simm.s32 $0x11800  }
0xbc: {  	[tilespmem:s20], [sflag:$0x1] =	stream.indirect_vreg.gather [hbm4b:s1+s3], $0x80, v3, vm0, $0xb8;
	[tilespmem:$0x19000] =	vst v63  }
.Ltmp3:
0xbd: {  	_ = 	snop;
	(pc) =	sbr.rel .LBB2_2-.Ltmp3, $4  }
0xbe: {  	s21 =	simm.s32 $0x12000  }
0xbf: {  	[tilespmem:s21], [sflag:$0x1] =	stream.indirect_vreg.gather [hbm4b:s9+s3], $0x80, v3, vm0, $0xb8;
	[tilespmem:$0x19000] =	vst v63  }
0xc0: {  	s12 =	sadd.s32 $0x3000, s12;
	s6 =	sadd.s32 $0x100, s6;
	s22 =	simm.s32 $0x12800  }
0xc1: {  	[tilespmem:s22], [sflag:$0x1] =	stream.indirect_vreg.gather [hbm4b:s10+s3], $0x80, v3, vm0, $0xb8;
	[tilespmem:$0x19000] =	vst v63  }
.LBB2_5:
0xc2: {  	_ =	sfence.sel $0x180000  }
0xc3: {  	[bflag:$0x0] =	sbarrier.arrive $0xFFFF  }
0xc4: {  	_ =	strace $0x90000047  }
0xc5: {  	s0 =	stileid.u32;
	[bflag:$0x2] =	sbarrier.arrive $0xFFFF  }
0xc6: {  	p0 =	sne.s32 s0, $0x0;
	s0 =	rddreg [dreg:$0x4]  }
0xc7: {  	s0 =	sadd.s32 @!p0 $0x100000, s0  }
0xc8: {  	[sflag:s0] =	ssyncadd.tile.s32 @!p0 $0x1;
	_ =	shalt  }
.Lfunc_end2:
_tile_overlayer_lowered:
.L_overlay_start_2:
0xc9: {  	(tag) =	ssettag $0x2  }
0xca: {  	s0 =	rddreg [dreg:$0x0];
	s2 =	stileid.u32  }
0xcb: {  	s1 =	rddreg [dreg:$0x1];
	p0 =	sne.s32 s2, $0x0  }
0xcc: {  	s3 =	rddreg [dreg:$0x2];
	[bflag:$0x3] =	sbarrier.arrive $0xFFFF;
	s2 =	simm.s32 @!p0 $0x1C0A  }
0xcd: {  	[timem:s3], [sflag:s2] =	dma.local @!p0 [hbm:s0], s1  }
0xce: {  	s0 =	simm.s32 @!p0 $0xA  }
0xcf: {  	_ =	swait.ge @!p0 [sflag:s0], s1  }
0xd0: {  	s1 =	ssub.s32 @!p0 $0x0, s1;
	[sflag:s0] =	ssyncset.done @!p0 $0x0  }
0xd1: {  	[sflag:s0] =	ssyncadd.s32 @!p0 s1  }
0xd2: {  	[bflag:$0x3] =	sbarrier.arrive $0xFFFF  }
0xd3: {  	_ =	shalt  }

</sc_bundles>
